<compile_context>
chip_gen: v7x
topology: tpu7x:2x2x1
jax: 0.10.2.dev20260603
libtpu: 0.0.44.dev20260713+nightly
codegen_flags: <defaults>
</compile_context>

<pallas_src>
import jax
import jax.numpy as jnp
from jax import lax
from jax.experimental import pallas as pl
from jax.experimental.pallas import tpu as pltpu
from jax.experimental.pallas import tpu_sc as plsc

SEQ = 2048
TOK = 16384
WIN = SEQ + 16
BUF = WIN + 24
BMAX = TOK - WIN


def _sc_pack(tok_hbm, cu_hbm, out_hbm, cuv, buf, obuf):
    row = lax.axis_index("s")
    pltpu.sync_copy(cu_hbm.at[pl.ds(0, 16)], cuv.at[pl.ds(0, 16)])
    v = cuv[pl.ds(row, 16)]
    start = v[0]
    end = jnp.where(row == 15, TOK, v[1])
    seg = end - start
    b = jnp.clip(((start - 1) // 8) * 8, 0, BMAX)
    b = pl.multiple_of(b, 8)
    d8 = start + 7 - b
    pltpu.sync_copy(tok_hbm.at[pl.ds(b, WIN)], buf.at[pl.ds(8, WIN)])
    iota16 = lax.broadcasted_iota(jnp.int32, (16,), 0)
    ncopy = jnp.clip((seg - 15) // 16 + 1, 1, SEQ // 16)
    nsel = jnp.clip((seg + 17) // 16, ncopy, SEQ // 16)

    def content(c, carry):
        jv = c * 16 + iota16
        vals = buf[pl.ds(d8 + c * 16, 16)]
        r = jnp.where(
            jv == 0,
            jnp.float32(1.0),
            jnp.where(
                jv <= seg,
                vals,
                jnp.where(jv == seg + 1, jnp.float32(2.0), jnp.float32(0.0)),
            ),
        )
        obuf[pl.ds(c * 16, 16)] = r
        return carry

    def copy(c, carry):
        obuf[pl.ds(c * 16, 16)] = buf[pl.ds(d8 + c * 16, 16)]
        return carry

    def padfill(c, carry):
        obuf[pl.ds(c * 16, 16)] = jnp.zeros((16,), jnp.float32)
        return carry

    content(0, 0)
    lax.fori_loop(1, ncopy, copy, 0)
    lax.fori_loop(ncopy, nsel, content, 0)
    lax.fori_loop(nsel, SEQ // 16, padfill, 0)
    pltpu.sync_copy(obuf, out_hbm.at[row])


def kernel(tokens, cu_seqlens):
    mesh = plsc.VectorSubcoreMesh(
        core_axis_name="c", subcore_axis_name="s", num_cores=1
    )
    f = pl.kernel(
        _sc_pack,
        mesh=mesh,
        out_type=jax.ShapeDtypeStruct((16, SEQ), jnp.float32),
        scratch_types=[
            pltpu.VMEM((32,), jnp.int32),
            pltpu.VMEM((BUF,), jnp.float32),
            pltpu.VMEM((SEQ,), jnp.float32),
        ],
    )
    return f(tokens, cu_seqlens)

# --- scband reference (transcript-rebuilt; emitter-appended) ---
"""Pipeline reference for scband-start-end-packer-63342177681781 (READ-ONLY COPY).

The authoritative reference and input builder live on the scoring server;
editing this copy changes nothing except your own understanding.
"""

import jax, jax.numpy as jnp
import numpy as np

SEQUENCE_LENGTH = 2048
START_VALUE = 1.0
END_VALUE = 2.0
PAD_VALUE = 0.0
BATCH = 16
TOTAL_TOKENS = 16384


def setup_inputs(seed: int = 0) -> dict:
    key = jax.random.key(seed)
    k1, k2 = jax.random.split(key)
    tokens = jax.random.normal(k1, (TOTAL_TOKENS,), dtype=jnp.float32)
    inner = jnp.sort(jax.random.randint(k2, (BATCH - 1,), 0, TOTAL_TOKENS)).astype(jnp.int32)
    cu_seqlens = jnp.concatenate([
        jnp.zeros((1,), dtype=jnp.int32),
        inner,
        jnp.full((1,), TOTAL_TOKENS, dtype=jnp.int32),
    ])
    return {"tokens": tokens, "cu_seqlens": cu_seqlens}


def reference(tokens, cu_seqlens):
    # Faithful jax translation of StartEndPacker.call for a batched ragged input
    # represented as (flat tokens, cu_seqlens).
    # Packed row i = [start_value] + tokens[cu[i]:cu[i+1]] + [end_value],
    # then padded/truncated to SEQUENCE_LENGTH with pad_value (to_tensor semantics).
    L = SEQUENCE_LENGTH
    starts = cu_seqlens[:-1]            # [B]
    lengths = cu_seqlens[1:] - cu_seqlens[:-1]  # [B]
    j = jnp.arange(L, dtype=jnp.int32)[None, :]  # [1, L]
    len_i = lengths[:, None]                      # [B, 1]
    gather_idx = starts[:, None] + j - 1          # position j maps to token j-1 of row
    gather_idx = jnp.clip(gather_idx, 0, tokens.shape[0] - 1)
    gathered = jnp.take(tokens, gather_idx, axis=0)  # [B, L]
    is_start = (j == 0)
    is_token = (j >= 1) & (j <= len_i)
    is_end = (j == len_i + 1)
    out = jnp.where(
        is_start,
        jnp.float32(START_VALUE),
        jnp.where(
            is_token,
            gathered,
            jnp.where(is_end, jnp.float32(END_VALUE), jnp.float32(PAD_VALUE)),
        ),
    )
    return out

if __name__ == "__main__":
    import jax
    _d = setup_inputs()
    print(jax.jit(kernel)(*tuple(_d.values())))

</pallas_src>

<mosaic_0001>
#map = affine_map<(d0, d1) -> (0)>
#map1 = affine_map<(d0, d1) -> (0, 0)>
module attributes {stable_mosaic.version = 14 : i64} {
  func.func @_sc_pack(%arg0: i32, %arg1: i32, %arg2: memref<16384xf32, #tpu.memory_space<hbm>>, %arg3: memref<17xi32, #tpu.memory_space<hbm>>, %arg4: memref<16x2048xf32, #tpu.memory_space<hbm>>, %arg5: memref<32xi32, #tpu.memory_space<vmem>>, %arg6: memref<2088xf32, #tpu.memory_space<vmem>>, %arg7: memref<2048xf32, #tpu.memory_space<vmem>>) attributes {dimension_semantics = [#tpu.dimension_semantics<core_parallel>, #tpu.dimension_semantics<subcore_parallel>], iteration_bounds = array<i64: 1, 16>, scalar_prefetch = 0 : i64, scratch_operands = 3 : i64, tpu.core_type = #tpu.core_type<sc_vector_subcore>, window_params = [{transform_indices = #map}, {transform_indices = #map}, {transform_indices = #map1}]} {
    "tpu.region"() ({
      %run_scoped3A = tpu.sem_alloc : memref<!tpu.dma_semaphore, #tpu.memory_space<semaphore_mem>>
      %dma_start3A = arith.constant 0 : i32
      %dma_start3A_147 = tpu.memref_slice %arg5[%dma_start3A] : memref<32xi32, #tpu.memory_space<vmem>> -> memref<16xi32, #tpu.memory_space<vmem>>
      %dma_start3A_148 = arith.constant 0 : i32
      %dma_start3A_149 = tpu.memref_slice %arg3[%dma_start3A_148] : memref<17xi32, #tpu.memory_space<hbm>> -> memref<16xi32, #tpu.memory_space<hbm>>
      %dma_start3A_150 = arith.constant 0 : i32
      %dma_start3A_151 = tpu.memref_slice %arg5[%dma_start3A_150] : memref<32xi32, #tpu.memory_space<vmem>> -> memref<16xi32, #tpu.memory_space<vmem>>
      %dma_start3A_152 = arith.constant 0 : i32
      %dma_start3A_153 = tpu.memref_slice %arg3[%dma_start3A_152] : memref<17xi32, #tpu.memory_space<hbm>> -> memref<16xi32, #tpu.memory_space<hbm>>
      tpu.enqueue_dma source(%dma_start3A_153 : memref<16xi32, #tpu.memory_space<hbm>>) target(%dma_start3A_151 : memref<16xi32, #tpu.memory_space<vmem>>) target_semaphore(%run_scoped3A : memref<!tpu.dma_semaphore, #tpu.memory_space<semaphore_mem>>)
      %dma_wait3A = arith.constant 0 : i32
      %dma_wait3A_154 = tpu.memref_slice %arg5[%dma_wait3A] : memref<32xi32, #tpu.memory_space<vmem>> -> memref<16xi32, #tpu.memory_space<vmem>>
      %dma_wait3A_155 = arith.constant 0 : i32
      %dma_wait3A_156 = tpu.memref_slice %arg3[%dma_wait3A_155] : memref<17xi32, #tpu.memory_space<hbm>> -> memref<16xi32, #tpu.memory_space<hbm>>
      %dma_wait3A_157 = arith.constant 0 : i32
      %dma_wait3A_158 = tpu.memref_slice %arg5[%dma_wait3A_157] : memref<32xi32, #tpu.memory_space<vmem>> -> memref<16xi32, #tpu.memory_space<vmem>>
      %dma_wait3A_159 = arith.constant 0 : i32
      %dma_wait3A_160 = tpu.memref_slice %arg3[%dma_wait3A_159] : memref<17xi32, #tpu.memory_space<hbm>> -> memref<16xi32, #tpu.memory_space<hbm>>
      tpu.wait_dma2 semaphore(%run_scoped3A : memref<!tpu.dma_semaphore, #tpu.memory_space<semaphore_mem>>) src(%dma_wait3A_160 : memref<16xi32, #tpu.memory_space<hbm>>) dst(%dma_wait3A_158 : memref<16xi32, #tpu.memory_space<vmem>>)
      tpu.yield
    }) : () -> ()
    %get3A = arith.index_cast %arg1 : i32 to index
    %get3A_0 = tpu.vector_load %arg5[%get3A] {strides = array<i32>} : memref<32xi32, #tpu.memory_space<vmem>>, vector<16xi32>,
    %get3A_1 = vector.shape_cast %get3A_0 : vector<16xi32> to vector<16xi32>
    %slice3A = vector.extract_strided_slice %get3A_1 {offsets = [0], sizes = [1], strides = [1]} : vector<16xi32> to vector<1xi32>
    %squeeze3A = vector.extract %slice3A[0] : i32 from vector<1xi32>
    %eq3A = arith.constant 15 : i32
    %eq3A_2 = arith.cmpi eq, %arg1, %eq3A : i32
    %slice3A_3 = vector.extract_strided_slice %get3A_1 {offsets = [1], sizes = [1], strides = [1]} : vector<16xi32> to vector<1xi32>
    %squeeze3A_4 = vector.extract %slice3A_3[0] : i32 from vector<1xi32>
    %jit3A = arith.constant 16384 : i32
    %select_n3A = arith.select %eq3A_2, %jit3A, %squeeze3A_4 : i32
    %sub3A = arith.subi %select_n3A, %squeeze3A : i32
    %sub3A_5 = arith.constant 1 : i32
    %sub3A_6 = arith.subi %squeeze3A, %sub3A_5 : i32
    %jit3A_7 = arith.constant 8 : i32
    %div3A = arith.divsi %sub3A_6, %jit3A_7 : i32
    %sign3A = arith.constant 0 : i32
    %sign3A_8 = arith.cmpi sgt, %sub3A_6, %sign3A : i32
    %sign3A_9 = arith.extui %sign3A_8 : i1 to i32
    %sign3A_10 = arith.constant 0 : i32
    %sign3A_11 = arith.cmpi slt, %sub3A_6, %sign3A_10 : i32
    %sign3A_12 = arith.extui %sign3A_11 : i1 to i32
    %sign3A_13 = arith.subi %sign3A_9, %sign3A_12 : i32
    %sign3A_14 = arith.constant 0 : i32
    %sign3A_15 = arith.cmpi sgt, %jit3A_7, %sign3A_14 : i32
    %sign3A_16 = arith.extui %sign3A_15 : i1 to i32
    %sign3A_17 = arith.constant 0 : i32
    %sign3A_18 = arith.cmpi slt, %jit3A_7, %sign3A_17 : i32
    %sign3A_19 = arith.extui %sign3A_18 : i1 to i32
    %sign3A_20 = arith.subi %sign3A_16, %sign3A_19 : i32
    %ne3A = arith.cmpi ne, %sign3A_13, %sign3A_20 : i32
    %rem3A = arith.remsi %sub3A_6, %jit3A_7 : i32
    %ne3A_21 = arith.constant 0 : i32
    %ne3A_22 = arith.cmpi ne, %rem3A, %ne3A_21 : i32
    %and3A = arith.andi %ne3A, %ne3A_22 : i1
    %sub3A_23 = arith.constant 1 : i32
    %sub3A_24 = arith.subi %div3A, %sub3A_23 : i32
    %select_n3A_25 = arith.select %and3A, %sub3A_24, %div3A : i32
    %mul3A = arith.constant 8 : i32
    %mul3A_26 = arith.muli %select_n3A_25, %mul3A : i32
    %jit3A_27 = arith.constant 0 : i32
    %jit3A_28 = arith.constant 14320 : i32
    %max3A = arith.maxsi %jit3A_27, %mul3A_26 : i32
    %min3A = arith.minsi %jit3A_28, %max3A : i32
    %multiple_of3A = tpu.assume_multiple %min3A, 8 : i32
    %add3A = arith.constant 7 : i32
    %add3A_29 = arith.addi %squeeze3A, %add3A : i32
    %sub3A_30 = arith.subi %add3A_29, %multiple_of3A : i32
    "tpu.region"() ({
      %run_scoped3A = tpu.sem_alloc : memref<!tpu.dma_semaphore, #tpu.memory_space<semaphore_mem>>
      %dma_start3A = arith.constant 8 : i32
      %dma_start3A_147 = tpu.memref_slice %arg6[%dma_start3A] : memref<2088xf32, #tpu.memory_space<vmem>> -> memref<2064xf32, #tpu.memory_space<vmem>>
      %dma_start3A_148 = tpu.memref_slice %arg2[%multiple_of3A] : memref<16384xf32, #tpu.memory_space<hbm>> -> memref<2064xf32, #tpu.memory_space<hbm>>
      %dma_start3A_149 = arith.constant 8 : i32
      %dma_start3A_150 = tpu.memref_slice %arg6[%dma_start3A_149] : memref<2088xf32, #tpu.memory_space<vmem>> -> memref<2064xf32, #tpu.memory_space<vmem>>
      %dma_start3A_151 = tpu.memref_slice %arg2[%multiple_of3A] : memref<16384xf32, #tpu.memory_space<hbm>> -> memref<2064xf32, #tpu.memory_space<hbm>>
      tpu.enqueue_dma source(%dma_start3A_151 : memref<2064xf32, #tpu.memory_space<hbm>>) target(%dma_start3A_150 : memref<2064xf32, #tpu.memory_space<vmem>>) target_semaphore(%run_scoped3A : memref<!tpu.dma_semaphore, #tpu.memory_space<semaphore_mem>>)
      %dma_wait3A = arith.constant 8 : i32
      %dma_wait3A_152 = tpu.memref_slice %arg6[%dma_wait3A] : memref<2088xf32, #tpu.memory_space<vmem>> -> memref<2064xf32, #tpu.memory_space<vmem>>
      %dma_wait3A_153 = tpu.memref_slice %arg2[%multiple_of3A] : memref<16384xf32, #tpu.memory_space<hbm>> -> memref<2064xf32, #tpu.memory_space<hbm>>
      %dma_wait3A_154 = arith.constant 8 : i32
      %dma_wait3A_155 = tpu.memref_slice %arg6[%dma_wait3A_154] : memref<2088xf32, #tpu.memory_space<vmem>> -> memref<2064xf32, #tpu.memory_space<vmem>>
      %dma_wait3A_156 = tpu.memref_slice %arg2[%multiple_of3A] : memref<16384xf32, #tpu.memory_space<hbm>> -> memref<2064xf32, #tpu.memory_space<hbm>>
      tpu.wait_dma2 semaphore(%run_scoped3A : memref<!tpu.dma_semaphore, #tpu.memory_space<semaphore_mem>>) src(%dma_wait3A_156 : memref<2064xf32, #tpu.memory_space<hbm>>) dst(%dma_wait3A_155 : memref<2064xf32, #tpu.memory_space<vmem>>)
      tpu.yield
    }) : () -> ()
    %iota3A = tpu.iota {dimensions = array<i32: 0>} : vector<16xi32>
    %sub3A_31 = arith.constant 15 : i32
    %sub3A_32 = arith.subi %sub3A, %sub3A_31 : i32
    %jit3A_33 = arith.constant 16 : i32
    %div3A_34 = arith.divsi %sub3A_32, %jit3A_33 : i32
    %sign3A_35 = arith.constant 0 : i32
    %sign3A_36 = arith.cmpi sgt, %sub3A_32, %sign3A_35 : i32
    %sign3A_37 = arith.extui %sign3A_36 : i1 to i32
    %sign3A_38 = arith.constant 0 : i32
    %sign3A_39 = arith.cmpi slt, %sub3A_32, %sign3A_38 : i32
    %sign3A_40 = arith.extui %sign3A_39 : i1 to i32
    %sign3A_41 = arith.subi %sign3A_37, %sign3A_40 : i32
    %sign3A_42 = arith.constant 0 : i32
    %sign3A_43 = arith.cmpi sgt, %jit3A_33, %sign3A_42 : i32
    %sign3A_44 = arith.extui %sign3A_43 : i1 to i32
    %sign3A_45 = arith.constant 0 : i32
    %sign3A_46 = arith.cmpi slt, %jit3A_33, %sign3A_45 : i32
    %sign3A_47 = arith.extui %sign3A_46 : i1 to i32
    %sign3A_48 = arith.subi %sign3A_44, %sign3A_47 : i32
    %ne3A_49 = arith.cmpi ne, %sign3A_41, %sign3A_48 : i32
    %rem3A_50 = arith.remsi %sub3A_32, %jit3A_33 : i32
    %ne3A_51 = arith.constant 0 : i32
    %ne3A_52 = arith.cmpi ne, %rem3A_50, %ne3A_51 : i32
    %and3A_53 = arith.andi %ne3A_49, %ne3A_52 : i1
    %sub3A_54 = arith.constant 1 : i32
    %sub3A_55 = arith.subi %div3A_34, %sub3A_54 : i32
    %select_n3A_56 = arith.select %and3A_53, %sub3A_55, %div3A_34 : i32
    %add3A_57 = arith.constant 1 : i32
    %add3A_58 = arith.addi %select_n3A_56, %add3A_57 : i32
    %jit3A_59 = arith.constant 1 : i32
    %jit3A_60 = arith.constant 128 : i32
    %max3A_61 = arith.maxsi %jit3A_59, %add3A_58 : i32
    %min3A_62 = arith.minsi %jit3A_60, %max3A_61 : i32
    %add3A_63 = arith.constant 17 : i32
    %add3A_64 = arith.addi %sub3A, %add3A_63 : i32
    %jit3A_65 = arith.constant 16 : i32
    %div3A_66 = arith.divsi %add3A_64, %jit3A_65 : i32
    %sign3A_67 = arith.constant 0 : i32
    %sign3A_68 = arith.cmpi sgt, %add3A_64, %sign3A_67 : i32
    %sign3A_69 = arith.extui %sign3A_68 : i1 to i32
    %sign3A_70 = arith.constant 0 : i32
    %sign3A_71 = arith.cmpi slt, %add3A_64, %sign3A_70 : i32
    %sign3A_72 = arith.extui %sign3A_71 : i1 to i32
    %sign3A_73 = arith.subi %sign3A_69, %sign3A_72 : i32
    %sign3A_74 = arith.constant 0 : i32
    %sign3A_75 = arith.cmpi sgt, %jit3A_65, %sign3A_74 : i32
    %sign3A_76 = arith.extui %sign3A_75 : i1 to i32
    %sign3A_77 = arith.constant 0 : i32
    %sign3A_78 = arith.cmpi slt, %jit3A_65, %sign3A_77 : i32
    %sign3A_79 = arith.extui %sign3A_78 : i1 to i32
    %sign3A_80 = arith.subi %sign3A_76, %sign3A_79 : i32
    %ne3A_81 = arith.cmpi ne, %sign3A_73, %sign3A_80 : i32
    %rem3A_82 = arith.remsi %add3A_64, %jit3A_65 : i32
    %ne3A_83 = arith.constant 0 : i32
    %ne3A_84 = arith.cmpi ne, %rem3A_82, %ne3A_83 : i32
    %and3A_85 = arith.andi %ne3A_81, %ne3A_84 : i1
    %sub3A_86 = arith.constant 1 : i32
    %sub3A_87 = arith.subi %div3A_66, %sub3A_86 : i32
    %select_n3A_88 = arith.select %and3A_85, %sub3A_87, %div3A_66 : i32
    %jit3A_89 = arith.constant 128 : i32
    %max3A_90 = arith.maxsi %min3A_62, %select_n3A_88 : i32
    %min3A_91 = arith.minsi %jit3A_89, %max3A_90 : i32
    %add3A_92 = arith.constant 0 : i32
    %add3A_93 = vector.broadcast %add3A_92 : i32 to vector<16xi32>
    %add3A_94 = arith.addi %add3A_93, %iota3A : vector<16xi32>
    %add3A_95 = arith.constant 0 : i32
    %add3A_96 = arith.addi %sub3A_30, %add3A_95 : i32
    %get3A_97 = arith.index_cast %add3A_96 : i32 to index
    %get3A_98 = tpu.vector_load %arg6[%get3A_97] {strides = array<i32>} : memref<2088xf32, #tpu.memory_space<vmem>>, vector<16xf32>,
    %get3A_99 = vector.shape_cast %get3A_98 : vector<16xf32> to vector<16xf32>
    %eq3A_100 = arith.constant 0 : i32
    %eq3A_101 = vector.broadcast %eq3A_100 : i32 to vector<16xi32>
    %eq3A_102 = arith.cmpi eq, %add3A_94, %eq3A_101 : vector<16xi32>
    %le3A = vector.broadcast %sub3A : i32 to vector<16xi32>
    %le3A_103 = arith.cmpi sle, %add3A_94, %le3A : vector<16xi32>
    %add3A_104 = arith.constant 1 : i32
    %add3A_105 = arith.addi %sub3A, %add3A_104 : i32
    %eq3A_106 = vector.broadcast %add3A_105 : i32 to vector<16xi32>
    %eq3A_107 = arith.cmpi eq, %add3A_94, %eq3A_106 : vector<16xi32>
    %jit3A_108 = arith.constant 2.000000e+00 : f32
    %jit3A_109 = arith.constant 0.000000e+00 : f32
    %broadcast_in_dim3A = vector.broadcast %jit3A_108 : f32 to vector<16xf32>
    %broadcast_in_dim3A_110 = vector.broadcast %jit3A_109 : f32 to vector<16xf32>
    %select_n3A_111 = arith.select %eq3A_107, %broadcast_in_dim3A, %broadcast_in_dim3A_110 : vector<16xi1>, vector<16xf32>
    %select_n3A_112 = arith.select %le3A_103, %get3A_99, %select_n3A_111 : vector<16xi1>, vector<16xf32>
    %jit3A_113 = arith.constant 1.000000e+00 : f32
    %broadcast_in_dim3A_114 = vector.broadcast %jit3A_113 : f32 to vector<16xf32>
    %select_n3A_115 = arith.select %eq3A_102, %broadcast_in_dim3A_114, %select_n3A_112 : vector<16xi1>, vector<16xf32>
    %swap3A = arith.constant 0 : index
    %swap3A_116 = tpu.vector_load %arg7[%swap3A] {strides = array<i32>} : memref<2048xf32, #tpu.memory_space<vmem>>, vector<16xf32>,
    %swap3A_117 = vector.shape_cast %swap3A_116 : vector<16xf32> to vector<16xf32>
    %swap3A_118 = vector.shape_cast %select_n3A_115 : vector<16xf32> to vector<16xf32>
    tpu.vector_store %arg7[%swap3A], %swap3A_118 {strides = array<i32>} : memref<2048xf32, #tpu.memory_space<vmem>>, vector<16xf32>,
    %while3A = arith.constant 0 : i32
    %while3A_119 = arith.constant 1 : i32
    %while3A_120 = arith.subi %min3A_62, %while3A_119 : i32
    %while3A_121 = arith.addi %while3A_119, %while3A_120 : i32
    %while3A_122 = arith.constant 1 : i32
    %while3A_123 = arith.divsi %while3A_120, %while3A_122 : i32
    %while3A_124 = arith.muli %while3A_123, %while3A_122 : i32
    %while3A_125 = arith.addi %while3A_119, %while3A_124 : i32
    %while3A_126 = arith.constant 1 : i32
    scf.for %while3A_147 = %while3A_119 to %while3A_125 step %while3A_126  : i32 {
      %mul3A_148 = arith.constant 16 : i32
      %mul3A_149 = arith.muli %while3A_147, %mul3A_148 : i32
      %add3A_150 = arith.addi %sub3A_30, %mul3A_149 : i32
      %get3A_151 = arith.index_cast %add3A_150 : i32 to index
      %get3A_152 = tpu.vector_load %arg6[%get3A_151] {strides = array<i32>} : memref<2088xf32, #tpu.memory_space<vmem>>, vector<16xf32>,
      %get3A_153 = vector.shape_cast %get3A_152 : vector<16xf32> to vector<16xf32>
      %mul3A_154 = arith.constant 16 : i32
      %mul3A_155 = arith.muli %while3A_147, %mul3A_154 : i32
      %swap3A_156 = arith.index_cast %mul3A_155 : i32 to index
      %swap3A_157 = tpu.vector_load %arg7[%swap3A_156] {strides = array<i32>} : memref<2048xf32, #tpu.memory_space<vmem>>, vector<16xf32>,
      %swap3A_158 = vector.shape_cast %swap3A_157 : vector<16xf32> to vector<16xf32>
      %swap3A_159 = vector.shape_cast %get3A_153 : vector<16xf32> to vector<16xf32>
      tpu.vector_store %arg7[%swap3A_156], %swap3A_159 {strides = array<i32>} : memref<2048xf32, #tpu.memory_space<vmem>>, vector<16xf32>,
    }
    %while3A_127 = arith.constant 1 : i32
    scf.for %while3A_147 = %while3A_125 to %while3A_121 step %while3A_127  : i32 {
      %mul3A_148 = arith.constant 16 : i32
      %mul3A_149 = arith.muli %while3A_147, %mul3A_148 : i32
      %add3A_150 = arith.addi %sub3A_30, %mul3A_149 : i32
      %get3A_151 = arith.index_cast %add3A_150 : i32 to index
      %get3A_152 = tpu.vector_load %arg6[%get3A_151] {strides = array<i32>} : memref<2088xf32, #tpu.memory_space<vmem>>, vector<16xf32>,
      %get3A_153 = vector.shape_cast %get3A_152 : vector<16xf32> to vector<16xf32>
      %mul3A_154 = arith.constant 16 : i32
      %mul3A_155 = arith.muli %while3A_147, %mul3A_154 : i32
      %swap3A_156 = arith.index_cast %mul3A_155 : i32 to index
      %swap3A_157 = tpu.vector_load %arg7[%swap3A_156] {strides = array<i32>} : memref<2048xf32, #tpu.memory_space<vmem>>, vector<16xf32>,
      %swap3A_158 = vector.shape_cast %swap3A_157 : vector<16xf32> to vector<16xf32>
      %swap3A_159 = vector.shape_cast %get3A_153 : vector<16xf32> to vector<16xf32>
      tpu.vector_store %arg7[%swap3A_156], %swap3A_159 {strides = array<i32>} : memref<2048xf32, #tpu.memory_space<vmem>>, vector<16xf32>,
    }
    %while3A_128 = arith.constant 0 : i32
    %while3A_129 = arith.subi %min3A_91, %min3A_62 : i32
    %while3A_130 = arith.addi %min3A_62, %while3A_129 : i32
    %while3A_131 = arith.constant 1 : i32
    %while3A_132 = arith.divsi %while3A_129, %while3A_131 : i32
    %while3A_133 = arith.muli %while3A_132, %while3A_131 : i32
    %while3A_134 = arith.addi %min3A_62, %while3A_133 : i32
    %while3A_135 = arith.constant 1 : i32
    scf.for %while3A_147 = %min3A_62 to %while3A_134 step %while3A_135  : i32 {
      %mul3A_148 = arith.constant 16 : i32
      %mul3A_149 = arith.muli %while3A_147, %mul3A_148 : i32
      %add3A_150 = vector.broadcast %mul3A_149 : i32 to vector<16xi32>
      %add3A_151 = arith.addi %add3A_150, %iota3A : vector<16xi32>
      %mul3A_152 = arith.constant 16 : i32
      %mul3A_153 = arith.muli %while3A_147, %mul3A_152 : i32
      %add3A_154 = arith.addi %sub3A_30, %mul3A_153 : i32
      %get3A_155 = arith.index_cast %add3A_154 : i32 to index
      %get3A_156 = tpu.vector_load %arg6[%get3A_155] {strides = array<i32>} : memref<2088xf32, #tpu.memory_space<vmem>>, vector<16xf32>,
      %get3A_157 = vector.shape_cast %get3A_156 : vector<16xf32> to vector<16xf32>
      %eq3A_158 = arith.constant 0 : i32
      %eq3A_159 = vector.broadcast %eq3A_158 : i32 to vector<16xi32>
      %eq3A_160 = arith.cmpi eq, %add3A_151, %eq3A_159 : vector<16xi32>
      %le3A_161 = vector.broadcast %sub3A : i32 to vector<16xi32>
      %le3A_162 = arith.cmpi sle, %add3A_151, %le3A_161 : vector<16xi32>
      %add3A_163 = arith.constant 1 : i32
      %add3A_164 = arith.addi %sub3A, %add3A_163 : i32
      %eq3A_165 = vector.broadcast %add3A_164 : i32 to vector<16xi32>
      %eq3A_166 = arith.cmpi eq, %add3A_151, %eq3A_165 : vector<16xi32>
      %jit3A_167 = arith.constant 2.000000e+00 : f32
      %jit3A_168 = arith.constant 0.000000e+00 : f32
      %broadcast_in_dim3A_169 = vector.broadcast %jit3A_167 : f32 to vector<16xf32>
      %broadcast_in_dim3A_170 = vector.broadcast %jit3A_168 : f32 to vector<16xf32>
      %select_n3A_171 = arith.select %eq3A_166, %broadcast_in_dim3A_169, %broadcast_in_dim3A_170 : vector<16xi1>, vector<16xf32>
      %select_n3A_172 = arith.select %le3A_162, %get3A_157, %select_n3A_171 : vector<16xi1>, vector<16xf32>
      %jit3A_173 = arith.constant 1.000000e+00 : f32
      %broadcast_in_dim3A_174 = vector.broadcast %jit3A_173 : f32 to vector<16xf32>
      %select_n3A_175 = arith.select %eq3A_160, %broadcast_in_dim3A_174, %select_n3A_172 : vector<16xi1>, vector<16xf32>
      %mul3A_176 = arith.constant 16 : i32
      %mul3A_177 = arith.muli %while3A_147, %mul3A_176 : i32
      %swap3A_178 = arith.index_cast %mul3A_177 : i32 to index
      %swap3A_179 = tpu.vector_load %arg7[%swap3A_178] {strides = array<i32>} : memref<2048xf32, #tpu.memory_space<vmem>>, vector<16xf32>,
      %swap3A_180 = vector.shape_cast %swap3A_179 : vector<16xf32> to vector<16xf32>
      %swap3A_181 = vector.shape_cast %select_n3A_175 : vector<16xf32> to vector<16xf32>
      tpu.vector_store %arg7[%swap3A_178], %swap3A_181 {strides = array<i32>} : memref<2048xf32, #tpu.memory_space<vmem>>, vector<16xf32>,
    }
    %while3A_136 = arith.constant 1 : i32
    scf.for %while3A_147 = %while3A_134 to %while3A_130 step %while3A_136  : i32 {
      %mul3A_148 = arith.constant 16 : i32
      %mul3A_149 = arith.muli %while3A_147, %mul3A_148 : i32
      %add3A_150 = vector.broadcast %mul3A_149 : i32 to vector<16xi32>
      %add3A_151 = arith.addi %add3A_150, %iota3A : vector<16xi32>
      %mul3A_152 = arith.constant 16 : i32
      %mul3A_153 = arith.muli %while3A_147, %mul3A_152 : i32
      %add3A_154 = arith.addi %sub3A_30, %mul3A_153 : i32
      %get3A_155 = arith.index_cast %add3A_154 : i32 to index
      %get3A_156 = tpu.vector_load %arg6[%get3A_155] {strides = array<i32>} : memref<2088xf32, #tpu.memory_space<vmem>>, vector<16xf32>,
      %get3A_157 = vector.shape_cast %get3A_156 : vector<16xf32> to vector<16xf32>
      %eq3A_158 = arith.constant 0 : i32
      %eq3A_159 = vector.broadcast %eq3A_158 : i32 to vector<16xi32>
      %eq3A_160 = arith.cmpi eq, %add3A_151, %eq3A_159 : vector<16xi32>
      %le3A_161 = vector.broadcast %sub3A : i32 to vector<16xi32>
      %le3A_162 = arith.cmpi sle, %add3A_151, %le3A_161 : vector<16xi32>
      %add3A_163 = arith.constant 1 : i32
      %add3A_164 = arith.addi %sub3A, %add3A_163 : i32
      %eq3A_165 = vector.broadcast %add3A_164 : i32 to vector<16xi32>
      %eq3A_166 = arith.cmpi eq, %add3A_151, %eq3A_165 : vector<16xi32>
      %jit3A_167 = arith.constant 2.000000e+00 : f32
      %jit3A_168 = arith.constant 0.000000e+00 : f32
      %broadcast_in_dim3A_169 = vector.broadcast %jit3A_167 : f32 to vector<16xf32>
      %broadcast_in_dim3A_170 = vector.broadcast %jit3A_168 : f32 to vector<16xf32>
      %select_n3A_171 = arith.select %eq3A_166, %broadcast_in_dim3A_169, %broadcast_in_dim3A_170 : vector<16xi1>, vector<16xf32>
      %select_n3A_172 = arith.select %le3A_162, %get3A_157, %select_n3A_171 : vector<16xi1>, vector<16xf32>
      %jit3A_173 = arith.constant 1.000000e+00 : f32
      %broadcast_in_dim3A_174 = vector.broadcast %jit3A_173 : f32 to vector<16xf32>
      %select_n3A_175 = arith.select %eq3A_160, %broadcast_in_dim3A_174, %select_n3A_172 : vector<16xi1>, vector<16xf32>
      %mul3A_176 = arith.constant 16 : i32
      %mul3A_177 = arith.muli %while3A_147, %mul3A_176 : i32
      %swap3A_178 = arith.index_cast %mul3A_177 : i32 to index
      %swap3A_179 = tpu.vector_load %arg7[%swap3A_178] {strides = array<i32>} : memref<2048xf32, #tpu.memory_space<vmem>>, vector<16xf32>,
      %swap3A_180 = vector.shape_cast %swap3A_179 : vector<16xf32> to vector<16xf32>
      %swap3A_181 = vector.shape_cast %select_n3A_175 : vector<16xf32> to vector<16xf32>
      tpu.vector_store %arg7[%swap3A_178], %swap3A_181 {strides = array<i32>} : memref<2048xf32, #tpu.memory_space<vmem>>, vector<16xf32>,
    }
    %while3A_137 = arith.constant 0 : i32
    %while3A_138 = arith.constant 128 : i32
    %while3A_139 = arith.subi %while3A_138, %min3A_91 : i32
    %while3A_140 = arith.addi %min3A_91, %while3A_139 : i32
    %while3A_141 = arith.constant 1 : i32
    %while3A_142 = arith.divsi %while3A_139, %while3A_141 : i32
    %while3A_143 = arith.muli %while3A_142, %while3A_141 : i32
    %while3A_144 = arith.addi %min3A_91, %while3A_143 : i32
    %while3A_145 = arith.constant 1 : i32
    scf.for %while3A_147 = %min3A_91 to %while3A_144 step %while3A_145  : i32 {
      %broadcast_in_dim3A_148 = arith.constant 0.000000e+00 : f32
      %broadcast_in_dim3A_149 = vector.broadcast %broadcast_in_dim3A_148 : f32 to vector<16xf32>
      %mul3A_150 = arith.constant 16 : i32
      %mul3A_151 = arith.muli %while3A_147, %mul3A_150 : i32
      %swap3A_152 = arith.index_cast %mul3A_151 : i32 to index
      %swap3A_153 = tpu.vector_load %arg7[%swap3A_152] {strides = array<i32>} : memref<2048xf32, #tpu.memory_space<vmem>>, vector<16xf32>,
      %swap3A_154 = vector.shape_cast %swap3A_153 : vector<16xf32> to vector<16xf32>
      %swap3A_155 = vector.shape_cast %broadcast_in_dim3A_149 : vector<16xf32> to vector<16xf32>
      tpu.vector_store %arg7[%swap3A_152], %swap3A_155 {strides = array<i32>} : memref<2048xf32, #tpu.memory_space<vmem>>, vector<16xf32>,
    }
    %while3A_146 = arith.constant 1 : i32
    scf.for %while3A_147 = %while3A_144 to %while3A_140 step %while3A_146  : i32 {
      %broadcast_in_dim3A_148 = arith.constant 0.000000e+00 : f32
      %broadcast_in_dim3A_149 = vector.broadcast %broadcast_in_dim3A_148 : f32 to vector<16xf32>
      %mul3A_150 = arith.constant 16 : i32
      %mul3A_151 = arith.muli %while3A_147, %mul3A_150 : i32
      %swap3A_152 = arith.index_cast %mul3A_151 : i32 to index
      %swap3A_153 = tpu.vector_load %arg7[%swap3A_152] {strides = array<i32>} : memref<2048xf32, #tpu.memory_space<vmem>>, vector<16xf32>,
      %swap3A_154 = vector.shape_cast %swap3A_153 : vector<16xf32> to vector<16xf32>
      %swap3A_155 = vector.shape_cast %broadcast_in_dim3A_149 : vector<16xf32> to vector<16xf32>
      tpu.vector_store %arg7[%swap3A_152], %swap3A_155 {strides = array<i32>} : memref<2048xf32, #tpu.memory_space<vmem>>, vector<16xf32>,
    }
    "tpu.region"() ({
      %run_scoped3A = tpu.sem_alloc : memref<!tpu.dma_semaphore, #tpu.memory_space<semaphore_mem>>
      %dma_start3A = arith.constant 0 : i32
      %dma_start3A_147 = tpu.memref_slice %arg4[%arg1, %dma_start3A] : memref<16x2048xf32, #tpu.memory_space<hbm>> -> memref<1x2048xf32, #tpu.memory_space<hbm>>
      %dma_start3A_148 = tpu.memref_squeeze %dma_start3A_147 : memref<1x2048xf32, #tpu.memory_space<hbm>> -> memref<2048xf32, #tpu.memory_space<hbm>>
      %dma_start3A_149 = arith.constant 0 : i32
      %dma_start3A_150 = tpu.memref_slice %arg4[%arg1, %dma_start3A_149] : memref<16x2048xf32, #tpu.memory_space<hbm>> -> memref<1x2048xf32, #tpu.memory_space<hbm>>
      %dma_start3A_151 = tpu.memref_squeeze %dma_start3A_150 : memref<1x2048xf32, #tpu.memory_space<hbm>> -> memref<2048xf32, #tpu.memory_space<hbm>>
      tpu.enqueue_dma source(%arg7 : memref<2048xf32, #tpu.memory_space<vmem>>) target(%dma_start3A_151 : memref<2048xf32, #tpu.memory_space<hbm>>) target_semaphore(%run_scoped3A : memref<!tpu.dma_semaphore, #tpu.memory_space<semaphore_mem>>)
      %dma_wait3A = arith.constant 0 : i32
      %dma_wait3A_152 = tpu.memref_slice %arg4[%arg1, %dma_wait3A] : memref<16x2048xf32, #tpu.memory_space<hbm>> -> memref<1x2048xf32, #tpu.memory_space<hbm>>
      %dma_wait3A_153 = tpu.memref_squeeze %dma_wait3A_152 : memref<1x2048xf32, #tpu.memory_space<hbm>> -> memref<2048xf32, #tpu.memory_space<hbm>>
      %dma_wait3A_154 = arith.constant 0 : i32
      %dma_wait3A_155 = tpu.memref_slice %arg4[%arg1, %dma_wait3A_154] : memref<16x2048xf32, #tpu.memory_space<hbm>> -> memref<1x2048xf32, #tpu.memory_space<hbm>>
      %dma_wait3A_156 = tpu.memref_squeeze %dma_wait3A_155 : memref<1x2048xf32, #tpu.memory_space<hbm>> -> memref<2048xf32, #tpu.memory_space<hbm>>
      tpu.wait_dma2 semaphore(%run_scoped3A : memref<!tpu.dma_semaphore, #tpu.memory_space<semaphore_mem>>) src(%arg7 : memref<2048xf32, #tpu.memory_space<vmem>>) dst(%dma_wait3A_156 : memref<2048xf32, #tpu.memory_space<hbm>>)
      tpu.yield
    }) : () -> ()
    return
  }
}

</mosaic_0001>

<sc_bundles>
// kernel: kernel.3.cloned.1.call-start
scs
__scs_entry_jumppad:
0x0: {  	(pc) =	sbr.rel $0x88, $3  }
0x1: {  	(tag) =	ssettag $0x0;
	lr =	simm.s32 $0x1  }
0x2: {  	[smem:$0x3F9F] =	sst lr;
	_ =	strace $0xD0000000  }
0x3: {  	_ = 	snop  }
0x4: {  	_ = 	snop  }
0x5: {  	_ = 	snop  }
0x6: {  	_ = 	snop  }
0x7: {  	_ = 	snop  }
__scs_overlays_trampoline_lowered:
0x8: {  	[smem:$0x3FAE] =	sst s0  }
0x9: {  	[smem:$0x3FAF] =	sst s1  }
0xa: {  	[smem:$0x3FB0] =	sst s2  }
0xb: {  	[smem:$0x3FB1] =	sst s3  }
0xc: {  	[smem:$0x3FB2] =	sst s4  }
0xd: {  	[smem:$0x3FB3] =	sst s5  }
0xe: {  	[smem:$0x3FB4] =	sst s6  }
0xf: {  	[smem:$0x3FB5] =	sst s7  }
0x10: {  	[smem:$0x3FB6] =	sst s8  }
0x11: {  	[smem:$0x3FB7] =	sst s9;
	s0 =	simm.s32 @!p0 $0x0  }
0x12: {  	s1 =	sld [smem:$0x3F9D];
	s0 =	simm.s32 @p0 $0x1  }
0x13: {  	[smem:$0x3FB8] =	sst s0;
	s0 =	simm.s32 @!p1 $0x0  }
0x14: {  	s2 =	sld [smem:$0x3F9C];
	s0 =	simm.s32 @p1 $0x1  }
0x15: {  	[smem:$0x3FB9] =	sst s0;
	s0 =	simm.s32 @!p2 $0x0  }
0x16: {  	s3 =	sld [smem:$0x3FDB];
	s0 =	simm.s32 @p2 $0x1  }
0x17: {  	s4 =	simm.s32 $0x1BF5;
	[smem:$0x3FBB] =	sst s0  }
0x18: {  	s0 =	sld [smem:$0x3F9E];
	_ =	swait.ge [sflag:s4], $0x0  }
0x19: {  	s7 =	sld [smem:$0x3F9F]  }
0x1a: {  	s8 =	sadd.s32 $0xFFFFE003, lr  }
0x1b: {  	s9 =	sadd.s32 $0xFFFFFEF7, lr;
	s5 =	simm.s32 $0xFFFFFFFF;
	p2 =	slt.u32 s8, $0xFFFFF086  }
0x1c: {  	p1 =	slt.u32 s9, $0xF7A;
	s5 =	simm.s32 @!p2 $0x0  }
0x1d: {  	s5 =	simm.s32 @p1 $0x1;
	p0 =	seq.s32 s7, s2  }
0x1e: {  	s7 =	smul.u32 @!p0 $0xF7A, s2;
	p2 =	seq.s32 @!p0 s5, $0x0  }
0x1f: {  	s9 =	smul.u32 $0xF7A, s1;
	s8 =	simm.s32 @!p0 $0x1BF5;
	p2 =	por !p2, p0  }
0x20: {  	[sflag:s8] =	ssyncset.s32 @!p0 $0xFFFFF086;
	s6 =	sadd.s32 @!p0 s3, s7;
	s7 =	simm.s32 @!p0 $0x108  }
0x21: {  	s3 =	sadd.s32 s3, s9;
	s6 =	sadd.s32 @!p0 $0x88, s6;
	s7 =	simm.s32 @p2 $0x1082  }
0x22: {  	[simem:s7], [sflag:s8] =	dma.local @!p0 [hbm:s6], $0xF7A  }
0x23: {  	s9 =	sor.u32 $0xD0000000, s2;
	s6 =	simm.s32 $0x108;
	_ =	swait.ge @!p0 [sflag:s8], $0x0  }
0x24: {  	s3 =	sadd.s32 $0x88, s3;
	s6 =	simm.s32 @!p1 $0x1082;
	[sflag:s4] =	ssyncset.s32 $0xFFFFF086  }
0x25: {  	[simem:s6], [sflag:s4] =	dma.local [hbm:s3], $0xF7A  }
0x26: {  	[smem:$0x3F9F] =	sst s1;
	(tag) =	ssettag s2;
	_ =	strace s9  }
0x27: {  	s1 =	sld [smem:$0x3FAF]  }
0x28: {  	s2 =	sld [smem:$0x3FB0]  }
0x29: {  	s4 =	sld [smem:$0x3FB2]  }
0x2a: {  	p0 =	seq.s32 s5, $0x0;
	s5 =	sld [smem:$0x3FB3]  }
0x2b: {  	s6 =	sld [smem:$0x3FB4]  }
0x2c: {  	s7 =	sld [smem:$0x3FB5]  }
0x2d: {  	s3 =	simm.s32 $0x108;
	s8 =	sld [smem:$0x3FB6]  }
0x2e: {  	s3 =	simm.s32 @!p0 $0x1082;
	s9 =	sld [smem:$0x3FB7]  }
0x2f: {  	lr =	sadd.s32 s0, s3;
	s0 =	sld [smem:$0x3FAE]  }
0x30: {  	s3 =	sld [smem:$0x3FB1]  }
0x31: {  	[smem:$0x3FBA] =	sst s10  }
0x32: {  	s10 =	sld [smem:$0x3FB8];
	_ =	sdelay $0x3  }
0x33: {  	p0 =	seq.s32 s10, $0x1;
	s10 =	sld [smem:$0x3FBA];
	_ =	sdelay $0x3  }
0x34: {  	[smem:$0x3FBA] =	sst s10  }
0x35: {  	s10 =	sld [smem:$0x3FB9];
	_ =	sdelay $0x3  }
0x36: {  	p1 =	seq.s32 s10, $0x1;
	s10 =	sld [smem:$0x3FBA];
	_ =	sdelay $0x3  }
0x37: {  	[smem:$0x3FBA] =	sst s10  }
0x38: {  	s10 =	sld [smem:$0x3FBB]  }
0x39: {  	_ = 	snop;
	(pc) =	sbr.ind lr, $3  }
0x3a: {  	_ = 	snop  }
0x3b: {  	_ = 	snop  }
0x3c: {  	p2 =	seq.s32 s10, $0x1;
	s10 =	sld [smem:$0x3FBA]  }
0x3d: {  	_ =	shalt  }
0x3e: {  	_ =	shalt  }
0x3f: {  	_ =	shalt  }
0x40: {  	_ =	shalt  }
0x41: {  	_ =	shalt  }
0x42: {  	_ =	shalt  }
0x43: {  	_ =	shalt  }
0x44: {  	_ =	shalt  }
0x45: {  	_ =	shalt  }
0x46: {  	_ =	shalt  }
0x47: {  	_ =	shalt  }
0x48: {  	_ =	shalt  }
0x49: {  	_ =	shalt  }
0x4a: {  	_ =	shalt  }
0x4b: {  	_ =	shalt  }
0x4c: {  	_ =	shalt  }
0x4d: {  	_ =	shalt  }
0x4e: {  	_ =	shalt  }
0x4f: {  	_ =	shalt  }
0x50: {  	_ =	shalt  }
0x51: {  	_ =	shalt  }
0x52: {  	_ =	shalt  }
0x53: {  	_ =	shalt  }
0x54: {  	_ =	shalt  }
0x55: {  	_ =	shalt  }
0x56: {  	_ =	shalt  }
0x57: {  	_ =	shalt  }
0x58: {  	_ =	shalt  }
0x59: {  	_ =	shalt  }
0x5a: {  	_ =	shalt  }
0x5b: {  	_ =	shalt  }
0x5c: {  	_ =	shalt  }
0x5d: {  	_ =	shalt  }
0x5e: {  	_ =	shalt  }
0x5f: {  	_ =	shalt  }
0x60: {  	_ =	shalt  }
0x61: {  	_ =	shalt  }
0x62: {  	_ =	shalt  }
0x63: {  	_ =	shalt  }
0x64: {  	_ =	shalt  }
0x65: {  	_ =	shalt  }
0x66: {  	_ =	shalt  }
0x67: {  	_ =	shalt  }
0x68: {  	_ =	shalt  }
0x69: {  	_ =	shalt  }
0x6a: {  	_ =	shalt  }
0x6b: {  	_ =	shalt  }
0x6c: {  	_ =	shalt  }
0x6d: {  	_ =	shalt  }
0x6e: {  	_ =	shalt  }
0x6f: {  	_ =	shalt  }
0x70: {  	_ =	shalt  }
0x71: {  	_ =	shalt  }
0x72: {  	_ =	shalt  }
0x73: {  	_ =	shalt  }
0x74: {  	_ =	shalt  }
0x75: {  	_ =	shalt  }
0x76: {  	_ =	shalt  }
0x77: {  	_ =	shalt  }
0x78: {  	_ =	shalt  }
0x79: {  	_ =	shalt  }
0x7a: {  	_ =	shalt  }
0x7b: {  	_ =	shalt  }
0x7c: {  	_ =	shalt  }
0x7d: {  	_ =	shalt  }
0x7e: {  	_ =	shalt  }
0x7f: {  	_ =	shalt  }
0x80: {  	_ =	shalt  }
0x81: {  	_ =	shalt  }
0x82: {  	_ =	shalt  }
0x83: {  	_ =	shalt  }
0x84: {  	_ =	shalt  }
0x85: {  	_ =	shalt  }
0x86: {  	_ =	shalt  }
0x87: {  	_ =	shalt  }
.Lfunc_end0:
.L_simem_size_0:
called_computation_lowered:
.L_overlay_start_0:
0x88: {  	s0 =	sld [smem:$0x3FD9]  }
0x89: {  	s1 =	sld [smem:$0x3FFE];
	_ =	sdelay $0x3  }
0x8a: {  	s0 =	sadd.s32 s1, s0  }
0x8b: {  	[smem:$0x3FC6] =	sst s0  }
0x8c: {  	_ = 	snop  }
0x8d: {  	s0 =	sld [smem:$0x3FC9]  }
0x8e: {  	s17 =	sld [smem:$0x3FC8]  }
0x8f: {  	s2 =	sld [smem:$0x3FD0];
	(tm) =	ssettm $0x1  }
0x90: {  	s3 =	sld [smem:$0x3FFB];
	_ =	sdelay $0x3  }
0x91: {  	_ =	strace s3  }
0x92: {  	s3 =	sld [smem:$0x3FFC];
	_ =	sdelay $0x3  }
0x93: {  	_ =	strace s3  }
0x94: {  	s3 =	sld [smem:$0x3FFD];
	_ =	sdelay $0x3  }
0x95: {  	_ =	strace s3  }
0x96: {  	_ =	strace $0x8FFFFFFF  }
0x97: {  	s18 =	sld [smem:$0x3FDB];
	_ =	sdelay $0x1  }
0x98: {  	s4 =	simm.s32 $_scs_section_size  }
0x99: {  	s5 =	simm.s32 $_size__tile_overlayer_lowered;
	s6 =	simm.s32 $_tile_overlayer_lowered  }
0x9a: {  	s21 =	simm.s32 $0x1BFF;
	s20 =	sshll.u32 s6, $0x1;
	s3 =	sadd.s32 s4, s18  }
0x9b: {  	s7 =	simm.s32 $0x0;
	s19 =	sshll.u32 s5, $0x1;
	s5 =	sadd.s32 s20, s3  }
0x9c: {  	[timem:s7], [sflag:s21] =	dma.local [hbm:s5], s19  }
0x9d: {  	_ =	swait.ge [sflag:s21], s19  }
0x9e: {  	s4 =	ssub.s32 $0x0, s19;
	[sflag:s21] =	ssyncset.done $0x0  }
0x9f: {  	[sflag:s21] =	ssyncadd.s32 s4;
	_ =	sdelay $0x1  }
0xa0: {  	s22 =	simm.s32 $0x1B8B  }
0xa1: {  	_ =	swait.ge [sflag:s22], $0x1  }
0xa2: {  	[sflag:s22] =	ssyncset.done $0x0  }
0xa3: {  	s23 =	simm.s32 $0x1B8E;
	[sflag:s22] =	ssyncadd.s32 $0xFFFFFFFF  }
0xa4: {  	s24 =	simm.s32 $execute0_lowered;
	[smem:$0x3FD2] =	sst s23  }
0xa5: {  	s4 =	sshll.u32 s24, $0x1;
	_ =	strace $0x80000046;
	[dreg:$0x1] =	wrdreg $0xFFFFFFFF  }
0xa6: {  	s25 =	simm.s32 $_size_execute0_lowered;
	s3 =	sadd.s32 s3, s4;
	[dreg:$0x0] =	wrdreg $0x0  }
0xa7: {  	s4 =	sshll.u32 s25, $0x1;
	[dreg:$0x2] =	wrdreg s3  }
0xa8: {  	[dreg:$0x3] =	wrdreg s4  }
0xa9: {  	[dreg:$0x4] =	wrdreg $0xC0  }
0xaa: {  	_ =	task [dreg:s7], $0x5FFFF  }
0xab: {  	[dreg:$0x1] =	wrdreg $0xFFFFFFFF  }
0xac: {  	[dreg:$0x0] =	wrdreg $0x60  }
0xad: {  	[dreg:$0x2] =	wrdreg s0  }
0xae: {  	[dreg:$0x3] =	wrdreg s17  }
0xaf: {  	[dreg:$0x4] =	wrdreg s2  }
0xb0: {  	[dreg:$0x5] =	wrdreg $0x9  }
0xb1: {  	_ =	task.clear_ibuf [dreg:s7], $0x6FFFF;
	_ =	strace $0x90000046  }
0xb2: {  	s26 =	simm.s32 $0x9;
	_ =	strace $0x80000048  }
0xb3: {  	_ =	swait.ge [sflag:s26], $0x1  }
0xb4: {  	[sflag:s26] =	ssyncadd.s32 $0xFFFFFFFF  }
0xb5: {  	_ =	strace $0x90000048  }
0xb6: {  	_ =	sfence  }
0xb7: {  	s28 =	sld [smem:$0x0];
	_ =	sdelay $0x1  }
0xb8: {  	s29 =	srdreg.scid  }
0xb9: {  	s30 =	sshll.u32 s29, $0xD;
	s31 =	sshrl.u32 s29, $0x2  }
0xba: {  	s1 =	sand.u32 $0x1, s29;
	s2 =	sand.u32 $0x4000, s30;
	s0 =	sadd.s32 s31, s28  }
0xbb: {  	s1 =	sor.u32 s2, s1;
	s0 =	sshll.u32 s0, $0x11  }
0xbc: {  	s0 =	sor.u32 s0, s1  }
0xbd: {  	s0 =	sadd.s32 $0x8F2B, s0  }
0xbe: {  	[sflag:s0] =	ssyncadd.remote.s32 $0x1  }
0xbf: {  	_ =	sfence.sel $0xFFFF  }
0xc0: {  	[dreg:$0x0] =	wrdreg $0xFFFFFFFF;
	(pc) =	sbr.abs _section_cstart, $3  }
0xc1: {  	[dreg:$0x1] =	wrdreg $0xFFFFFFFF  }
0xc2: {  	_ =	task.clear_ibuf [dreg:s7], $0x2FFFF;
	_ =	strace $0x9FFFFFFF  }
0xc3: {  	(tm) =	ssettm $0x7FFFFFFF  }
tec
execute0_lowered:
.L_overlay_start_1:
0x0: {  	(tag) =	ssettag $0x1  }
0x1: {  	s3 =	rddreg [dreg:$0x0]  }
0x2: {  	s1 =	rddreg [dreg:$0x1]  }
0x3: {  	s4 =	rddreg [dreg:$0x2];
	s7 =	simm.s32 $0x0  }
0x4: {  	[smem:$0x7FF] =	sst s7  }
0x5: {  	s0 =	rddreg [dreg:$0x3];
	s2 =	simm.s32 $0x1;
	_ =	strace $0x80000047  }
0x6: {  	[tilespmem:s7], [sflag:$0x1] =	stream.linear.gather [hbm4b:s1+s7], $0x10, $0x38;
	[tilespmem:$0x1100] =	vst v63  }
0x7: {  	_ =	swait.ge [sflag:s2], $0x10  }
0x8: {  	[sflag:s2] =	ssyncset.done $0x0  }
0x9: {  	s1 =	stileid.u32;
	[sflag:s2] =	ssyncadd.s32 $0xFFFFFFF0  }
0xa: {  	v0 =	vld [tilespmem:s1+$0x0];
	_ =	sdelay $0x4  }
0xb: {  	(v2sf) =	vpush v0, $0x0;
	_ =	sdelay $0x9  }
0xc: {  	(v2sf) =	vpush v0, $0x1;
	_ =	sdelay $0x4  }
0xd: {  	s5 =	spop (v2sf)  }
0xe: {  	s6 =	sadd.s32 $0xFFFFFFFF, s5  }
0xf: {  	s8 =	sand.u32 $0x7, s6  }
0x10: {  	s9 =	sshra.s32 s6, $0x1F;
	p0 =	slt.s32 s6, $0x1;
	p1 =	sne.s32 s8, $0x0  }
0x11: {  	s20 =	sshrl.u32 s9, $0x1D;
	p0 =	por !p0, !p1  }
0x12: {  	s8 =	simm.s32 $0x1;
	s6 =	sadd.s32 s20, s6;
	p0 =	por !p0, !p0  }
0x13: {  	s6 =	sshrl.u32 s6, $0x3;
	s8 =	simm.s32 @!p0 $0x0  }
0x14: {  	s6 =	ssub.s32 s6, s8  }
0x15: {  	s6 =	sshll.u32 s6, $0x3  }
0x16: {  	p0 =	sgt.s32 s6, $0x0  }
0x17: {  	s8 =	spop (v2sf);
	s6 =	simm.s32 @!p0 $0x0;
	p0 =	seq.s32 s1, $0xF  }
0x18: {  	s22 =	simm.s32 $0x88;
	s6 =	smin.u32 s6, $0x37F0;
	s8 =	simm.s32 @p0 $0x4000  }
0x19: {  	s21 =	sshrl.u32 s6, $0x3;
	s8 =	ssub.s32 s8, s5;
	s26 =	ssub.s32 s5, s6  }
0x1a: {  	s3 =	sadd.s32 s3, s21;
	s23 =	sadd.s32 $0xFFFFFFF1, s8;
	s28 =	sadd.s32 $0x11, s8  }
0x1b: {  	[tilespmem:s22], [sflag:$0x1] =	stream.linear.gather [hbm4b:s3+s7], $0x810, $0x38;
	[tilespmem:$0x1100] =	vst v63  }
0x1c: {  	s30 =	sadd.s32 $0x1, s8;
	s24 =	sand.u32 $0xF, s23;
	s25 =	sshra.s32 s23, $0x1F  }
0x1d: {  	p4 =	slt.s32 s23, $0x1;
	s10 =	sand.u32 $0xF, s28;
	s11 =	sshra.s32 s28, $0x1F  }
0x1e: {  	p6 =	slt.s32 s28, $0x1;
	p5 =	sne.s32 s24, $0x0;
	s9 =	sshrl.u32 s25, $0x1C  }
0x1f: {  	_ =	swait.ge [sflag:s2], $0x810;
	p2 =	sne.s32 s10, $0x0;
	p0 =	por !p4, !p5  }
0x20: {  	s3 =	sadd.s32 s9, s23;
	s9 =	simm.s32 $0x1;
	p0 =	por !p0, !p0  }
0x21: {  	s29 =	sshrl.u32 s11, $0x1C;
	s3 =	sshra.s32 s3, $0x4;
	s9 =	simm.s32 @!p0 $0x0  }
0x22: {  	[sflag:s2] =	ssyncset.done $0x0;
	p1 =	por !p6, !p2;
	s3 =	ssub.s32 s3, s9  }
0x23: {  	[sflag:s2] =	ssyncadd.s32 $0xFFFFF7F0;
	p0 =	sgt.s32 s3, $0x0;
	s7 =	smov.u32 s3  }
0x24: {  	s9 =	sadd.s32 s29, s28;
	s7 =	simm.s32 @!p0 $0x0;
	p0 =	por !p1, !p1  }
0x25: {  	v0 =	vmov s8;
	s9 =	sshra.s32 s9, $0x4;
	s8 =	smin.u32 s7, $0x7F;
	s2 =	simm.s32 @!p0 $0x0  }
0x26: {  	v2 =	vld [tilespmem:s26+$0x87];
	s7 =	sadd.s32 $0x1, s8;
	s2 =	ssub.s32 s9, s2  }
0x27: {  	p0 =	sgt.s32 s7, s2  }
0x28: {  	v3 =	vlaneseq.u32;
	v1 =	vmov s30;
	s2 =	smov.u32 @p0 s7;
	p0 =	slt.s32 s3, $0x1  }
.Ltmp0:
0x29: {  	v5 =	vimm.f32 $0.0e+00;
	v4 =	vadd.s32 $0xFFFFFFFF, v3;
	vm0 =	veq.s32 v1, v3;
	(pc) =	sbr.rel @p0 .LBB2_3-.Ltmp0, $4  }
0x2a: {  	vm1 =	vgt.s32 v0, v4;
	v63 =	vsel vm0, $0x40000000, v5  }
0x2b: {  	vm15 =	veq.s32 v3, $0x0;
	v2 =	vsel vm1, v2, v63  }
0x2c: {  	s31 =	sshll.u32 s1, $0x4;
	v2 =	vsel vm15, $0x3F800000, v2  }
0x2d: {  	s10 =	sand.u32 $0x70, s31;
	s9 =	sshll.u32 s1, $0x8;
	[tilespmem:$0x900] =	vst v2;
	s3 =	smin.u32 s2, $0x80  }
0x2e: {  	s11 =	sshll.u32 s5, $0x2;
	s12 =	sshll.u32 s6, $0x2  }
0x2f: {  	s11 =	ssub.s32 s11, s12  }
0x30: {  	s11 =	sadd.s32 $0x5C, s11  }
0x31: {  	s11 =	sshra.s32 s11, $0x2  }
0x32: {  	s13 =	sadd.s32 $0x80, s11  }
0x33: {  	p0 =	seq.s32 s8, $0x1;
	v2 =	vld [tilespmem:s13+$0x0]  }
.Ltmp1:
0x34: {  	_ = 	snop;
	(pc) =	sbr.rel @p0 .LBB2_3-.Ltmp1, $3  }
0x35: {  	_ =	sdelay $0x1  }
0x36: {  	s11 =	simm.s32 $0x910  }
0x37: {  	s12 =	sadd.s32 $0xFFFFFFFF, s8;
	s13 =	sadd.s32 $0x10, s13;
	[tilespmem:s11+$0x0] =	vst v2  }
.LBB2_2:
0x38: {  	v2 =	vld [tilespmem:s13+$0x0];
	p0 =	seq.s32 s12, $0x1;
	s12 =	sadd.s32 $0xFFFFFFFF, s12  }
.Ltmp2:
0x39: {  	(pc) =	sbr.rel @!p0 .LBB2_2-.Ltmp2, $3  }
0x3a: {  	_ =	sdelay $0x1  }
0x3b: {  	s11 =	sadd.s32 $0x10, s11  }
0x3c: {  	s13 =	sadd.s32 $0x10, s13;
	[tilespmem:s11+$0x0] =	vst v2  }
.LBB2_3:
0x3d: {  	p0 =	sge.u32 s7, s3  }
.Ltmp3:
0x3e: {  	_ = 	snop;
	(pc) =	sbr.rel @p0 .LBB2_6-.Ltmp3, $2  }
0x3f: {  	_ =	sdelay $0x2  }
0x40: {  	s7 =	sand.u32 $0x800, s9;
	s4 =	sadd.s32 s4, s10  }
0x41: {  	s9 =	sxor.u32 $0xFFFFFFFF, s8  }
0x42: {  	s10 =	sshll.u32 s8, $0x6;
	s5 =	sshll.u32 s5, $0x2;
	s9 =	sadd.s32 s3, s9  }
0x43: {  	s6 =	sshll.u32 s6, $0x2;
	s5 =	sadd.s32 s5, s10;
	p1 =	seq.s32 s9, $0x1  }
.Ltmp4:
0x44: {  	s5 =	ssub.s32 s5, s6;
	(pc) =	sbr.rel @p1 .LBB2_5-.Ltmp4, $4  }
0x45: {  	s5 =	sadd.s32 $0x5C, s5  }
0x46: {  	s11 =	sshll.u32 s8, $0x4;
	s31 =	sshra.s32 s5, $0x2  }
0x47: {  	p0 =	por $0x0, $0x0;
	s30 =	sshrl.u32 s10, $0x2;
	s8 =	sadd.s32 $0x80, s31  }
0x48: {  	v2 =	vlaneseq.u32;
	v3 =	vimm.f32 $0.0e+00;
	s6 =	sadd.s32 $0x10, s11;
	s9 =	sadd.s32 $0xFFFFFFFF, s9;
	s5 =	sadd.s32 $0x910, s30;
	v4 =	vld [tilespmem:s8+$0x0]  }
0x49: {  	_ = 	snop  }
0x4a: {  	v5 =	vor.u32 s6, v2  }
0x4b: {  	p1 =	seq.s32 s9, $0x1;
	vm0 =	veq.s32 v5, v1  }
.Ltmp5:
0x4c: {  	v6 =	vmov s6;
	vm1 =	vgt.s32 v5, v0;
	v5 =	vsel vm0, $0x40000000, v3;
	(pc) =	sbr.rel @p1 .LBB2_13-.Ltmp5, $4  }
0x4d: {  	vm15 =	veq.s32 v6, v2;
	v4 =	vsel vm1, v5, v4  }
0x4e: {  	v4 =	vsel vm15, $0x3F800000, v4  }
0x4f: {  	s10 =	sadd.s32 $0x10, s8;
	s11 =	sadd.s32 $0xFFFFFFFF, s9;
	[tilespmem:s5+$0x0] =	vst v4  }
0x50: {  	p0 =	por $0x1, $0x1;
	s9 =	smov.u32 s6;
	s8 =	smov.u32 s5;
	v4 =	vld [tilespmem:s10+$0x0]  }
.LBB2_12:
0x51: {  	p1 =	seq.s32 s11, $0x1;
	s9 =	sadd.s32 $0x10, s9  }
0x52: {  	v5 =	vor.u32 s9, v2  }
0x53: {  	vm0 =	veq.s32 v5, v1  }
.Ltmp6:
0x54: {  	v6 =	vmov s9;
	vm1 =	vgt.s32 v5, v0;
	v5 =	vsel vm0, $0x40000000, v3;
	(pc) =	sbr.rel @!p1 .LBB2_12-.Ltmp6, $4  }
0x55: {  	vm0 =	veq.s32 v6, v2;
	v4 =	vsel vm1, v5, v4  }
0x56: {  	s8 =	sadd.s32 $0x10, s8;
	v4 =	vsel vm0, $0x3F800000, v4  }
0x57: {  	s10 =	sadd.s32 $0x10, s10;
	[tilespmem:s8+$0x0] =	vst v4  }
0x58: {  	s11 =	sadd.s32 $0xFFFFFFFF, s11;
	v4 =	vld [tilespmem:s10+$0x0]  }
.LBB2_13:
0x59: {  	s9 =	sadd.s32 @p0 $0x10, s9  }
0x5a: {  	s6 =	smov.u32 @p0 s9  }
0x5b: {  	v5 =	vor.u32 s6, v2  }
0x5c: {  	vm0 =	veq.s32 v5, v1  }
0x5d: {  	v62 =	vmov s6;
	vm1 =	vgt.s32 v5, v0;
	v63 =	vsel vm0, $0x40000000, v3  }
0x5e: {  	s6 =	sadd.s32 @p0 $0x10, s8;
	vm15 =	veq.s32 v62, v2;
	v0 =	vsel vm1, v63, v4  }
0x5f: {  	s5 =	smov.u32 @p0 s6;
	v0 =	vsel vm15, $0x3F800000, v0  }
0x60: {  	[tilespmem:s5+$0x0] =	vst v0  }
.LBB2_6:
0x61: {  	p0 =	sgt.u32 s2, $0x7F  }
.Ltmp7:
0x62: {  	_ = 	snop;
	(pc) =	sbr.rel @p0 .LBB2_10-.Ltmp7, $2  }
0x63: {  	_ =	sdelay $0x2  }
0x64: {  	s2 =	sadd.s32 s7, s4  }
0x65: {  	s4 =	sshll.u32 s3, $0x6  }
0x66: {  	p0 =	sne.s32 s4, $0x1FC0  }
.Ltmp8:
0x67: {  	_ = 	snop;
	(pc) =	sbr.rel @!p0 .LBB2_9-.Ltmp8, $2  }
0x68: {  	_ =	sdelay $0x2  }
0x69: {  	v0 =	vimm.f32 $0.0e+00;
	s3 =	sadd.s32 $0x40, s4;
	s4 =	sshra.s32 s4, $0x2  }
.LBB2_8:
0x6a: {  	p0 =	sne.s32 s3, $0x1FC0;
	[tilespmem:s4+$0x900] =	vst v0;
	s4 =	smov.u32 s3;
	s3 =	sadd.s32 $0x40, s3  }
.Ltmp9:
0x6b: {  	(pc) =	sbr.rel @p0 .LBB2_8-.Ltmp9, $2  }
0x6c: {  	_ =	sdelay $0x2  }
0x6d: {  	s4 =	sshra.s32 s4, $0x2  }
.LBB2_9:
0x6e: {  	[tilespmem:s4+$0x900] =	vst v0  }
.LBB2_10:
0x6f: {  	s3 =	simm.s32 $0x80  }
0x70: {  	s4 =	simm.s32 $0x400;
	s5 =	simm.s32 $0x900;
	s31 =	simm.s32 $0x1  }
0x71: {  	[hbm4b:s2+s3] =	stream.strided.scatter [tilespmem:s5], [sflag:$0x1], $0x800, s4, s3, $0x38;
	[tilespmem:$0x1100] =	vst v63  }
0x72: {  	_ =	swait.ge [sflag:s31], $0x800  }
0x73: {  	[sflag:s31] =	ssyncset.done $0x0  }
0x74: {  	[sflag:s31] =	ssyncadd.s32 $0xFFFFF800  }
0x75: {  	_ =	sfence.sel $0x180000  }
0x76: {  	[bflag:$0x0] =	sbarrier.arrive $0xFFFF  }
0x77: {  	p0 =	sne.s32 s1, $0x0;
	_ =	strace $0x90000047  }
0x78: {  	s0 =	sadd.s32 @!p0 $0x100000, s0;
	[bflag:$0x2] =	sbarrier.arrive $0xFFFF  }
0x79: {  	[sflag:s0] =	ssyncadd.tile.s32 @!p0 $0x1;
	_ =	shalt  }
.LBB2_5:
.Ltmp10:
0x7a: {  	(pc) =	sbr.rel .LBB2_13-.Ltmp10, $2  }
0x7b: {  	_ =	sdelay $0x2  }
0x7c: {  	s9 =	smov.u32 s6;
	s8 =	smov.u32 s5  }
.Lfunc_end2:
_tile_overlayer_lowered:
.L_overlay_start_2:
0x7d: {  	(tag) =	ssettag $0x2  }
0x7e: {  	s0 =	rddreg [dreg:$0x0];
	s2 =	stileid.u32  }
0x7f: {  	s1 =	rddreg [dreg:$0x1];
	p0 =	sne.s32 s2, $0x0  }
0x80: {  	s3 =	rddreg [dreg:$0x2];
	[bflag:$0x3] =	sbarrier.arrive $0xFFFF;
	s2 =	simm.s32 @!p0 $0x1C01  }
0x81: {  	[timem:s3], [sflag:s2] =	dma.local @!p0 [hbm:s0], s1  }
0x82: {  	s0 =	simm.s32 @!p0 $0x1  }
0x83: {  	_ =	swait.ge @!p0 [sflag:s0], s1  }
0x84: {  	s1 =	ssub.s32 @!p0 $0x0, s1;
	[sflag:s0] =	ssyncset.done @!p0 $0x0  }
0x85: {  	[sflag:s0] =	ssyncadd.s32 @!p0 s1  }
0x86: {  	[bflag:$0x3] =	sbarrier.arrive $0xFFFF  }
0x87: {  	_ =	shalt  }

</sc_bundles>
